<compile_context>
chip_gen: v7x
topology: tpu7x:2x2x1
jax: 0.10.2.dev20260603
libtpu: 0.0.44.dev20260713+nightly
codegen_flags: <defaults>
</compile_context>

<pallas_src>
import functools

import jax
import jax.numpy as jnp
from jax import lax
from jax.experimental import pallas as pl
from jax.experimental.pallas import tpu as pltpu
from jax.experimental.pallas import tpu_sc as plsc

SUBVERT_NUM = 100000
EMB_DIM = 64
NUM_FILTERS = 128
BATCH = 16384

_info = plsc.get_sparse_core_info()
_NC, _NS = _info.num_cores, _info.num_subcores
_NW = _NC * _NS
_B_PER_W = BATCH // _NW

_T_BLOCK = 8192
_T_GRID = 7
_D_ROWS = _T_BLOCK * _T_GRID


def _untranspose_body(lo_ref, hi_ref, o_ref):
    o_ref[...] = jnp.concatenate([lo_ref[...], hi_ref[...]], axis=0).T


def _untranspose_tc(tableT):
    return pl.pallas_call(
        _untranspose_body,
        grid=(_T_GRID,),
        in_specs=[
            pl.BlockSpec((EMB_DIM, _T_BLOCK), lambda i: (0, i)),
            pl.BlockSpec(
                (EMB_DIM, _T_BLOCK),
                lambda i: (0, jnp.minimum(i + _T_GRID,
                                          SUBVERT_NUM // _T_BLOCK)),
            ),
        ],
        out_specs=pl.BlockSpec((_T_BLOCK, 2 * EMB_DIM), lambda i: (i, 0)),
        out_shape=jax.ShapeDtypeStruct((_D_ROWS, 2 * EMB_DIM), jnp.float32),
        compiler_params=pltpu.CompilerParams(fuse_transposed_lhs_in_matmul=True),
    )(tableT, tableT)


def _gather_sc(idx2, dense64):

    @functools.partial(
        pl.kernel,
        mesh=plsc.VectorSubcoreMesh(core_axis_name="c", subcore_axis_name="s"),
        out_type=jax.ShapeDtypeStruct((BATCH, 2 * EMB_DIM), jnp.float32),
        scratch_types=[
            pltpu.VMEM((_B_PER_W,), jnp.int32),
            pltpu.VMEM((_B_PER_W, EMB_DIM), jnp.float32),
            pltpu.SemaphoreType.DMA,
            pltpu.SemaphoreType.DMA,
        ],
        compiler_params=pltpu.CompilerParams(use_tc_tiling_on_sc=False),
    )
    def k(idx_hbm, dense_hbm, out_hbm, idx_v, rows_v, sem_i, sem):
        wid = lax.axis_index("s") * _NC + lax.axis_index("c")
        base = wid * _B_PER_W
        pltpu.async_copy(idx_hbm.at[wid], idx_v, sem_i).wait()

        def body(j, _):
            vbase = j * 16
            idx_vec = idx_v[pl.ds(vbase, 16)]
            row_vec = jnp.where(
                idx_vec < _D_ROWS,
                idx_vec * 2,
                (idx_vec - _D_ROWS) * 2 + 1,
            )
            for t in range(16):
                r = row_vec[t]
                pltpu.async_copy(
                    dense_hbm.at[pl.ds(r, 1)], rows_v.at[pl.ds(vbase + t, 1)], sem
                )
            return 0

        lax.fori_loop(0, _B_PER_W // 16, body, 0)

        pltpu.make_async_copy(
            dense_hbm.at[pl.ds(0, _B_PER_W)], rows_v, sem
        ).wait()
        pltpu.sync_copy(
            rows_v, out_hbm.at[pl.ds(base, _B_PER_W), pl.ds(0, EMB_DIM)]
        )

    return k(idx2, dense64)


def _proj_body(x_ref, wt_ref, b_ref, o_ref):
    o_ref[...] = (
        lax.dot_general(
            x_ref[:, 0:EMB_DIM], wt_ref[...],
            dimension_numbers=(((1,), (0,)), ((), ())),
            preferred_element_type=jnp.float32,
        )
        + b_ref[...]
    )


_TC_BLOCK = 2048


def _project_tc(x, Wt, b2):
    grid = BATCH // _TC_BLOCK
    return pl.pallas_call(
        _proj_body,
        grid=(grid,),
        in_specs=[
            pl.BlockSpec((_TC_BLOCK, 2 * EMB_DIM), lambda i: (i, 0)),
            pl.BlockSpec((EMB_DIM, NUM_FILTERS), lambda i: (0, 0)),
            pl.BlockSpec((1, NUM_FILTERS), lambda i: (0, 0)),
        ],
        out_specs=pl.BlockSpec((_TC_BLOCK, NUM_FILTERS), lambda i: (i, 0)),
        out_shape=jax.ShapeDtypeStruct((BATCH, NUM_FILTERS), jnp.float32),
    )(x, Wt, b2)


def kernel(input_subvert, table, W, b):
    idx2 = input_subvert.astype(jnp.int32).reshape(_NW, _B_PER_W)
    dense64 = _untranspose_tc(table.T).reshape(2 * _D_ROWS, EMB_DIM)
    gathered = _gather_sc(idx2, dense64)
    return _project_tc(gathered, W.T, b.reshape(1, NUM_FILTERS))

# --- scband reference (transcript-rebuilt; emitter-appended) ---
"""Pipeline reference for scband-subvert-encoder-64561948393670 (READ-ONLY COPY).

The authoritative reference and input builder live on the scoring server;
editing this copy changes nothing except your own understanding.
"""

import jax, jax.numpy as jnp
import numpy as np

SUBVERT_NUM = 100000
EMB_DIM = 64
NUM_FILTERS = 128
BATCH = 16384


def setup_inputs(seed: int = 0) -> dict:
    key = jax.random.key(seed)
    k1, k2, k3 = jax.random.split(key, 3)
    input_subvert = jax.random.randint(k1, (BATCH,), 0, SUBVERT_NUM, dtype=jnp.int64 if jax.config.jax_enable_x64 else jnp.int32)
    # embedding table (nn.Embedding default init: N(0,1))
    table = jax.random.normal(k2, (SUBVERT_NUM, EMB_DIM), dtype=jnp.float32)
    # linear_1: xavier_uniform weight, zero bias
    limit = float(np.sqrt(6.0 / (EMB_DIM + NUM_FILTERS)))
    W = jax.random.uniform(k3, (NUM_FILTERS, EMB_DIM), minval=-limit, maxval=limit, dtype=jnp.float32)
    b = jnp.zeros((NUM_FILTERS,), dtype=jnp.float32)
    return {"input_subvert": input_subvert, "table": table, "W": W, "b": b}


def reference(input_subvert, table, W, b):
    # subvert_emb = self.subvert_embedding(input_subvert)
    subvert_emb = jnp.take(table, input_subvert, axis=0)  # [B, EMB_DIM]
    # pred_subvert = self.linear_1(subvert_emb).view(-1, num_filters)
    pred_subvert = subvert_emb @ W.T + b                   # [B, NUM_FILTERS]
    pred_subvert = pred_subvert.reshape(-1, NUM_FILTERS)
    return pred_subvert

if __name__ == "__main__":
    import jax
    _d = setup_inputs()
    print(jax.jit(kernel)(*tuple(_d.values())))

</pallas_src>

<mosaic_0001>
#map = affine_map<(d0, d1) -> (0, 0)>
module attributes {stable_mosaic.version = 14 : i64} {
  func.func @k(%arg0: i32, %arg1: i32, %arg2: memref<32x512xi32, #tpu.memory_space<hbm>>, %arg3: memref<114688x64xf32, #tpu.memory_space<hbm>>, %arg4: memref<16384x128xf32, #tpu.memory_space<hbm>>, %arg5: memref<512xi32, #tpu.memory_space<vmem>>, %arg6: memref<512x64xf32, #tpu.memory_space<vmem>>, %arg7: memref<!tpu.dma_semaphore, #tpu.memory_space<semaphore_mem>>, %arg8: memref<!tpu.dma_semaphore, #tpu.memory_space<semaphore_mem>>) attributes {dimension_semantics = [#tpu.dimension_semantics<core_parallel>, #tpu.dimension_semantics<subcore_parallel>], iteration_bounds = array<i64: 2, 16>, scalar_prefetch = 0 : i64, scratch_operands = 4 : i64, tpu.core_type = #tpu.core_type<sc_vector_subcore>, window_params = [{transform_indices = #map}, {transform_indices = #map}, {transform_indices = #map}]} {
    %mul3A = arith.constant 2 : i32
    %mul3A_0 = arith.muli %arg1, %mul3A : i32
    %add3A = arith.addi %mul3A_0, %arg0 : i32
    %mul3A_1 = arith.constant 512 : i32
    %mul3A_2 = arith.muli %add3A, %mul3A_1 : i32
    %dma_start3A = arith.constant 0 : i32
    %dma_start3A_3 = tpu.memref_slice %arg2[%add3A, %dma_start3A] : memref<32x512xi32, #tpu.memory_space<hbm>> -> memref<1x512xi32, #tpu.memory_space<hbm>>
    %dma_start3A_4 = tpu.memref_squeeze %dma_start3A_3 : memref<1x512xi32, #tpu.memory_space<hbm>> -> memref<512xi32, #tpu.memory_space<hbm>>
    %dma_start3A_5 = arith.constant 0 : i32
    %dma_start3A_6 = tpu.memref_slice %arg2[%add3A, %dma_start3A_5] : memref<32x512xi32, #tpu.memory_space<hbm>> -> memref<1x512xi32, #tpu.memory_space<hbm>>
    %dma_start3A_7 = tpu.memref_squeeze %dma_start3A_6 : memref<1x512xi32, #tpu.memory_space<hbm>> -> memref<512xi32, #tpu.memory_space<hbm>>
    tpu.enqueue_dma source(%dma_start3A_7 : memref<512xi32, #tpu.memory_space<hbm>>) target(%arg5 : memref<512xi32, #tpu.memory_space<vmem>>) target_semaphore(%arg7 : memref<!tpu.dma_semaphore, #tpu.memory_space<semaphore_mem>>)
    %dma_wait3A = arith.constant 0 : i32
    %dma_wait3A_8 = tpu.memref_slice %arg2[%add3A, %dma_wait3A] : memref<32x512xi32, #tpu.memory_space<hbm>> -> memref<1x512xi32, #tpu.memory_space<hbm>>
    %dma_wait3A_9 = tpu.memref_squeeze %dma_wait3A_8 : memref<1x512xi32, #tpu.memory_space<hbm>> -> memref<512xi32, #tpu.memory_space<hbm>>
    %dma_wait3A_10 = arith.constant 0 : i32
    %dma_wait3A_11 = tpu.memref_slice %arg2[%add3A, %dma_wait3A_10] : memref<32x512xi32, #tpu.memory_space<hbm>> -> memref<1x512xi32, #tpu.memory_space<hbm>>
    %dma_wait3A_12 = tpu.memref_squeeze %dma_wait3A_11 : memref<1x512xi32, #tpu.memory_space<hbm>> -> memref<512xi32, #tpu.memory_space<hbm>>
    tpu.wait_dma2 semaphore(%arg7 : memref<!tpu.dma_semaphore, #tpu.memory_space<semaphore_mem>>) src(%dma_wait3A_12 : memref<512xi32, #tpu.memory_space<hbm>>) dst(%arg5 : memref<512xi32, #tpu.memory_space<vmem>>)
    %scan3A = arith.constant 0 : i32
    %scan3A_13 = arith.constant 0 : i32
    %scan3A_14 = arith.constant 32 : i32
    %scan3A_15 = arith.addi %scan3A_13, %scan3A_14 : i32
    %scan3A_16 = arith.constant 1 : i32
    %scan3A_17 = scf.for %scan3A_25 = %scan3A_13 to %scan3A_15 step %scan3A_16 iter_args(%scan3A_26 = %scan3A) -> (i32)  : i32 {
      %mul3A_27 = arith.constant 16 : i32
      %mul3A_28 = arith.muli %scan3A_25, %mul3A_27 : i32
      %get3A = arith.index_cast %mul3A_28 : i32 to index
      %get3A_29 = tpu.vector_load %arg5[%get3A] {strides = array<i32>} : memref<512xi32, #tpu.memory_space<vmem>>, vector<16xi32>,
      %get3A_30 = vector.shape_cast %get3A_29 : vector<16xi32> to vector<16xi32>
      %lt3A = arith.constant 57344 : i32
      %lt3A_31 = vector.broadcast %lt3A : i32 to vector<16xi32>
      %lt3A_32 = arith.cmpi slt, %get3A_30, %lt3A_31 : vector<16xi32>
      %mul3A_33 = arith.constant 2 : i32
      %mul3A_34 = vector.broadcast %mul3A_33 : i32 to vector<16xi32>
      %mul3A_35 = arith.muli %get3A_30, %mul3A_34 : vector<16xi32>
      %sub3A = arith.constant 57344 : i32
      %sub3A_36 = vector.broadcast %sub3A : i32 to vector<16xi32>
      %sub3A_37 = arith.subi %get3A_30, %sub3A_36 : vector<16xi32>
      %mul3A_38 = arith.constant 2 : i32
      %mul3A_39 = vector.broadcast %mul3A_38 : i32 to vector<16xi32>
      %mul3A_40 = arith.muli %sub3A_37, %mul3A_39 : vector<16xi32>
      %add3A_41 = arith.constant 1 : i32
      %add3A_42 = vector.broadcast %add3A_41 : i32 to vector<16xi32>
      %add3A_43 = arith.addi %mul3A_40, %add3A_42 : vector<16xi32>
      %select_n3A = arith.select %lt3A_32, %mul3A_35, %add3A_43 : vector<16xi1>, vector<16xi32>
      %slice3A = vector.extract_strided_slice %select_n3A {offsets = [0], sizes = [1], strides = [1]} : vector<16xi32> to vector<1xi32>
      %squeeze3A = vector.extract %slice3A[0] : i32 from vector<1xi32>
      %add3A_44 = arith.constant 0 : i32
      %add3A_45 = arith.addi %mul3A_28, %add3A_44 : i32
      %dma_start3A_46 = arith.constant 0 : i32
      %dma_start3A_47 = tpu.memref_slice %arg6[%add3A_45, %dma_start3A_46] : memref<512x64xf32, #tpu.memory_space<vmem>> -> memref<1x64xf32, #tpu.memory_space<vmem>>
      %dma_start3A_48 = arith.constant 0 : i32
      %dma_start3A_49 = tpu.memref_slice %arg3[%squeeze3A, %dma_start3A_48] : memref<114688x64xf32, #tpu.memory_space<hbm>> -> memref<1x64xf32, #tpu.memory_space<hbm>>
      %dma_start3A_50 = arith.constant 0 : i32
      %dma_start3A_51 = tpu.memref_slice %arg6[%add3A_45, %dma_start3A_50] : memref<512x64xf32, #tpu.memory_space<vmem>> -> memref<1x64xf32, #tpu.memory_space<vmem>>
      %dma_start3A_52 = arith.constant 0 : i32
      %dma_start3A_53 = tpu.memref_slice %arg3[%squeeze3A, %dma_start3A_52] : memref<114688x64xf32, #tpu.memory_space<hbm>> -> memref<1x64xf32, #tpu.memory_space<hbm>>
      tpu.enqueue_dma source(%dma_start3A_53 : memref<1x64xf32, #tpu.memory_space<hbm>>) target(%dma_start3A_51 : memref<1x64xf32, #tpu.memory_space<vmem>>) target_semaphore(%arg8 : memref<!tpu.dma_semaphore, #tpu.memory_space<semaphore_mem>>)
      %slice3A_54 = vector.extract_strided_slice %select_n3A {offsets = [1], sizes = [1], strides = [1]} : vector<16xi32> to vector<1xi32>
      %squeeze3A_55 = vector.extract %slice3A_54[0] : i32 from vector<1xi32>
      %add3A_56 = arith.constant 1 : i32
      %add3A_57 = arith.addi %mul3A_28, %add3A_56 : i32
      %dma_start3A_58 = arith.constant 0 : i32
      %dma_start3A_59 = tpu.memref_slice %arg6[%add3A_57, %dma_start3A_58] : memref<512x64xf32, #tpu.memory_space<vmem>> -> memref<1x64xf32, #tpu.memory_space<vmem>>
      %dma_start3A_60 = arith.constant 0 : i32
      %dma_start3A_61 = tpu.memref_slice %arg3[%squeeze3A_55, %dma_start3A_60] : memref<114688x64xf32, #tpu.memory_space<hbm>> -> memref<1x64xf32, #tpu.memory_space<hbm>>
      %dma_start3A_62 = arith.constant 0 : i32
      %dma_start3A_63 = tpu.memref_slice %arg6[%add3A_57, %dma_start3A_62] : memref<512x64xf32, #tpu.memory_space<vmem>> -> memref<1x64xf32, #tpu.memory_space<vmem>>
      %dma_start3A_64 = arith.constant 0 : i32
      %dma_start3A_65 = tpu.memref_slice %arg3[%squeeze3A_55, %dma_start3A_64] : memref<114688x64xf32, #tpu.memory_space<hbm>> -> memref<1x64xf32, #tpu.memory_space<hbm>>
      tpu.enqueue_dma source(%dma_start3A_65 : memref<1x64xf32, #tpu.memory_space<hbm>>) target(%dma_start3A_63 : memref<1x64xf32, #tpu.memory_space<vmem>>) target_semaphore(%arg8 : memref<!tpu.dma_semaphore, #tpu.memory_space<semaphore_mem>>)
      %slice3A_66 = vector.extract_strided_slice %select_n3A {offsets = [2], sizes = [1], strides = [1]} : vector<16xi32> to vector<1xi32>
      %squeeze3A_67 = vector.extract %slice3A_66[0] : i32 from vector<1xi32>
      %add3A_68 = arith.constant 2 : i32
      %add3A_69 = arith.addi %mul3A_28, %add3A_68 : i32
      %dma_start3A_70 = arith.constant 0 : i32
      %dma_start3A_71 = tpu.memref_slice %arg6[%add3A_69, %dma_start3A_70] : memref<512x64xf32, #tpu.memory_space<vmem>> -> memref<1x64xf32, #tpu.memory_space<vmem>>
      %dma_start3A_72 = arith.constant 0 : i32
      %dma_start3A_73 = tpu.memref_slice %arg3[%squeeze3A_67, %dma_start3A_72] : memref<114688x64xf32, #tpu.memory_space<hbm>> -> memref<1x64xf32, #tpu.memory_space<hbm>>
      %dma_start3A_74 = arith.constant 0 : i32
      %dma_start3A_75 = tpu.memref_slice %arg6[%add3A_69, %dma_start3A_74] : memref<512x64xf32, #tpu.memory_space<vmem>> -> memref<1x64xf32, #tpu.memory_space<vmem>>
      %dma_start3A_76 = arith.constant 0 : i32
      %dma_start3A_77 = tpu.memref_slice %arg3[%squeeze3A_67, %dma_start3A_76] : memref<114688x64xf32, #tpu.memory_space<hbm>> -> memref<1x64xf32, #tpu.memory_space<hbm>>
      tpu.enqueue_dma source(%dma_start3A_77 : memref<1x64xf32, #tpu.memory_space<hbm>>) target(%dma_start3A_75 : memref<1x64xf32, #tpu.memory_space<vmem>>) target_semaphore(%arg8 : memref<!tpu.dma_semaphore, #tpu.memory_space<semaphore_mem>>)
      %slice3A_78 = vector.extract_strided_slice %select_n3A {offsets = [3], sizes = [1], strides = [1]} : vector<16xi32> to vector<1xi32>
      %squeeze3A_79 = vector.extract %slice3A_78[0] : i32 from vector<1xi32>
      %add3A_80 = arith.constant 3 : i32
      %add3A_81 = arith.addi %mul3A_28, %add3A_80 : i32
      %dma_start3A_82 = arith.constant 0 : i32
      %dma_start3A_83 = tpu.memref_slice %arg6[%add3A_81, %dma_start3A_82] : memref<512x64xf32, #tpu.memory_space<vmem>> -> memref<1x64xf32, #tpu.memory_space<vmem>>
      %dma_start3A_84 = arith.constant 0 : i32
      %dma_start3A_85 = tpu.memref_slice %arg3[%squeeze3A_79, %dma_start3A_84] : memref<114688x64xf32, #tpu.memory_space<hbm>> -> memref<1x64xf32, #tpu.memory_space<hbm>>
      %dma_start3A_86 = arith.constant 0 : i32
      %dma_start3A_87 = tpu.memref_slice %arg6[%add3A_81, %dma_start3A_86] : memref<512x64xf32, #tpu.memory_space<vmem>> -> memref<1x64xf32, #tpu.memory_space<vmem>>
      %dma_start3A_88 = arith.constant 0 : i32
      %dma_start3A_89 = tpu.memref_slice %arg3[%squeeze3A_79, %dma_start3A_88] : memref<114688x64xf32, #tpu.memory_space<hbm>> -> memref<1x64xf32, #tpu.memory_space<hbm>>
      tpu.enqueue_dma source(%dma_start3A_89 : memref<1x64xf32, #tpu.memory_space<hbm>>) target(%dma_start3A_87 : memref<1x64xf32, #tpu.memory_space<vmem>>) target_semaphore(%arg8 : memref<!tpu.dma_semaphore, #tpu.memory_space<semaphore_mem>>)
      %slice3A_90 = vector.extract_strided_slice %select_n3A {offsets = [4], sizes = [1], strides = [1]} : vector<16xi32> to vector<1xi32>
      %squeeze3A_91 = vector.extract %slice3A_90[0] : i32 from vector<1xi32>
      %add3A_92 = arith.constant 4 : i32
      %add3A_93 = arith.addi %mul3A_28, %add3A_92 : i32
      %dma_start3A_94 = arith.constant 0 : i32
      %dma_start3A_95 = tpu.memref_slice %arg6[%add3A_93, %dma_start3A_94] : memref<512x64xf32, #tpu.memory_space<vmem>> -> memref<1x64xf32, #tpu.memory_space<vmem>>
      %dma_start3A_96 = arith.constant 0 : i32
      %dma_start3A_97 = tpu.memref_slice %arg3[%squeeze3A_91, %dma_start3A_96] : memref<114688x64xf32, #tpu.memory_space<hbm>> -> memref<1x64xf32, #tpu.memory_space<hbm>>
      %dma_start3A_98 = arith.constant 0 : i32
      %dma_start3A_99 = tpu.memref_slice %arg6[%add3A_93, %dma_start3A_98] : memref<512x64xf32, #tpu.memory_space<vmem>> -> memref<1x64xf32, #tpu.memory_space<vmem>>
      %dma_start3A_100 = arith.constant 0 : i32
      %dma_start3A_101 = tpu.memref_slice %arg3[%squeeze3A_91, %dma_start3A_100] : memref<114688x64xf32, #tpu.memory_space<hbm>> -> memref<1x64xf32, #tpu.memory_space<hbm>>
      tpu.enqueue_dma source(%dma_start3A_101 : memref<1x64xf32, #tpu.memory_space<hbm>>) target(%dma_start3A_99 : memref<1x64xf32, #tpu.memory_space<vmem>>) target_semaphore(%arg8 : memref<!tpu.dma_semaphore, #tpu.memory_space<semaphore_mem>>)
      %slice3A_102 = vector.extract_strided_slice %select_n3A {offsets = [5], sizes = [1], strides = [1]} : vector<16xi32> to vector<1xi32>
      %squeeze3A_103 = vector.extract %slice3A_102[0] : i32 from vector<1xi32>
      %add3A_104 = arith.constant 5 : i32
      %add3A_105 = arith.addi %mul3A_28, %add3A_104 : i32
      %dma_start3A_106 = arith.constant 0 : i32
      %dma_start3A_107 = tpu.memref_slice %arg6[%add3A_105, %dma_start3A_106] : memref<512x64xf32, #tpu.memory_space<vmem>> -> memref<1x64xf32, #tpu.memory_space<vmem>>
      %dma_start3A_108 = arith.constant 0 : i32
      %dma_start3A_109 = tpu.memref_slice %arg3[%squeeze3A_103, %dma_start3A_108] : memref<114688x64xf32, #tpu.memory_space<hbm>> -> memref<1x64xf32, #tpu.memory_space<hbm>>
      %dma_start3A_110 = arith.constant 0 : i32
      %dma_start3A_111 = tpu.memref_slice %arg6[%add3A_105, %dma_start3A_110] : memref<512x64xf32, #tpu.memory_space<vmem>> -> memref<1x64xf32, #tpu.memory_space<vmem>>
      %dma_start3A_112 = arith.constant 0 : i32
      %dma_start3A_113 = tpu.memref_slice %arg3[%squeeze3A_103, %dma_start3A_112] : memref<114688x64xf32, #tpu.memory_space<hbm>> -> memref<1x64xf32, #tpu.memory_space<hbm>>
      tpu.enqueue_dma source(%dma_start3A_113 : memref<1x64xf32, #tpu.memory_space<hbm>>) target(%dma_start3A_111 : memref<1x64xf32, #tpu.memory_space<vmem>>) target_semaphore(%arg8 : memref<!tpu.dma_semaphore, #tpu.memory_space<semaphore_mem>>)
      %slice3A_114 = vector.extract_strided_slice %select_n3A {offsets = [6], sizes = [1], strides = [1]} : vector<16xi32> to vector<1xi32>
      %squeeze3A_115 = vector.extract %slice3A_114[0] : i32 from vector<1xi32>
      %add3A_116 = arith.constant 6 : i32
      %add3A_117 = arith.addi %mul3A_28, %add3A_116 : i32
      %dma_start3A_118 = arith.constant 0 : i32
      %dma_start3A_119 = tpu.memref_slice %arg6[%add3A_117, %dma_start3A_118] : memref<512x64xf32, #tpu.memory_space<vmem>> -> memref<1x64xf32, #tpu.memory_space<vmem>>
      %dma_start3A_120 = arith.constant 0 : i32
      %dma_start3A_121 = tpu.memref_slice %arg3[%squeeze3A_115, %dma_start3A_120] : memref<114688x64xf32, #tpu.memory_space<hbm>> -> memref<1x64xf32, #tpu.memory_space<hbm>>
      %dma_start3A_122 = arith.constant 0 : i32
      %dma_start3A_123 = tpu.memref_slice %arg6[%add3A_117, %dma_start3A_122] : memref<512x64xf32, #tpu.memory_space<vmem>> -> memref<1x64xf32, #tpu.memory_space<vmem>>
      %dma_start3A_124 = arith.constant 0 : i32
      %dma_start3A_125 = tpu.memref_slice %arg3[%squeeze3A_115, %dma_start3A_124] : memref<114688x64xf32, #tpu.memory_space<hbm>> -> memref<1x64xf32, #tpu.memory_space<hbm>>
      tpu.enqueue_dma source(%dma_start3A_125 : memref<1x64xf32, #tpu.memory_space<hbm>>) target(%dma_start3A_123 : memref<1x64xf32, #tpu.memory_space<vmem>>) target_semaphore(%arg8 : memref<!tpu.dma_semaphore, #tpu.memory_space<semaphore_mem>>)
      %slice3A_126 = vector.extract_strided_slice %select_n3A {offsets = [7], sizes = [1], strides = [1]} : vector<16xi32> to vector<1xi32>
      %squeeze3A_127 = vector.extract %slice3A_126[0] : i32 from vector<1xi32>
      %add3A_128 = arith.constant 7 : i32
      %add3A_129 = arith.addi %mul3A_28, %add3A_128 : i32
      %dma_start3A_130 = arith.constant 0 : i32
      %dma_start3A_131 = tpu.memref_slice %arg6[%add3A_129, %dma_start3A_130] : memref<512x64xf32, #tpu.memory_space<vmem>> -> memref<1x64xf32, #tpu.memory_space<vmem>>
      %dma_start3A_132 = arith.constant 0 : i32
      %dma_start3A_133 = tpu.memref_slice %arg3[%squeeze3A_127, %dma_start3A_132] : memref<114688x64xf32, #tpu.memory_space<hbm>> -> memref<1x64xf32, #tpu.memory_space<hbm>>
      %dma_start3A_134 = arith.constant 0 : i32
      %dma_start3A_135 = tpu.memref_slice %arg6[%add3A_129, %dma_start3A_134] : memref<512x64xf32, #tpu.memory_space<vmem>> -> memref<1x64xf32, #tpu.memory_space<vmem>>
      %dma_start3A_136 = arith.constant 0 : i32
      %dma_start3A_137 = tpu.memref_slice %arg3[%squeeze3A_127, %dma_start3A_136] : memref<114688x64xf32, #tpu.memory_space<hbm>> -> memref<1x64xf32, #tpu.memory_space<hbm>>
      tpu.enqueue_dma source(%dma_start3A_137 : memref<1x64xf32, #tpu.memory_space<hbm>>) target(%dma_start3A_135 : memref<1x64xf32, #tpu.memory_space<vmem>>) target_semaphore(%arg8 : memref<!tpu.dma_semaphore, #tpu.memory_space<semaphore_mem>>)
      %slice3A_138 = vector.extract_strided_slice %select_n3A {offsets = [8], sizes = [1], strides = [1]} : vector<16xi32> to vector<1xi32>
      %squeeze3A_139 = vector.extract %slice3A_138[0] : i32 from vector<1xi32>
      %add3A_140 = arith.constant 8 : i32
      %add3A_141 = arith.addi %mul3A_28, %add3A_140 : i32
      %dma_start3A_142 = arith.constant 0 : i32
      %dma_start3A_143 = tpu.memref_slice %arg6[%add3A_141, %dma_start3A_142] : memref<512x64xf32, #tpu.memory_space<vmem>> -> memref<1x64xf32, #tpu.memory_space<vmem>>
      %dma_start3A_144 = arith.constant 0 : i32
      %dma_start3A_145 = tpu.memref_slice %arg3[%squeeze3A_139, %dma_start3A_144] : memref<114688x64xf32, #tpu.memory_space<hbm>> -> memref<1x64xf32, #tpu.memory_space<hbm>>
      %dma_start3A_146 = arith.constant 0 : i32
      %dma_start3A_147 = tpu.memref_slice %arg6[%add3A_141, %dma_start3A_146] : memref<512x64xf32, #tpu.memory_space<vmem>> -> memref<1x64xf32, #tpu.memory_space<vmem>>
      %dma_start3A_148 = arith.constant 0 : i32
      %dma_start3A_149 = tpu.memref_slice %arg3[%squeeze3A_139, %dma_start3A_148] : memref<114688x64xf32, #tpu.memory_space<hbm>> -> memref<1x64xf32, #tpu.memory_space<hbm>>
      tpu.enqueue_dma source(%dma_start3A_149 : memref<1x64xf32, #tpu.memory_space<hbm>>) target(%dma_start3A_147 : memref<1x64xf32, #tpu.memory_space<vmem>>) target_semaphore(%arg8 : memref<!tpu.dma_semaphore, #tpu.memory_space<semaphore_mem>>)
      %slice3A_150 = vector.extract_strided_slice %select_n3A {offsets = [9], sizes = [1], strides = [1]} : vector<16xi32> to vector<1xi32>
      %squeeze3A_151 = vector.extract %slice3A_150[0] : i32 from vector<1xi32>
      %add3A_152 = arith.constant 9 : i32
      %add3A_153 = arith.addi %mul3A_28, %add3A_152 : i32
      %dma_start3A_154 = arith.constant 0 : i32
      %dma_start3A_155 = tpu.memref_slice %arg6[%add3A_153, %dma_start3A_154] : memref<512x64xf32, #tpu.memory_space<vmem>> -> memref<1x64xf32, #tpu.memory_space<vmem>>
      %dma_start3A_156 = arith.constant 0 : i32
      %dma_start3A_157 = tpu.memref_slice %arg3[%squeeze3A_151, %dma_start3A_156] : memref<114688x64xf32, #tpu.memory_space<hbm>> -> memref<1x64xf32, #tpu.memory_space<hbm>>
      %dma_start3A_158 = arith.constant 0 : i32
      %dma_start3A_159 = tpu.memref_slice %arg6[%add3A_153, %dma_start3A_158] : memref<512x64xf32, #tpu.memory_space<vmem>> -> memref<1x64xf32, #tpu.memory_space<vmem>>
      %dma_start3A_160 = arith.constant 0 : i32
      %dma_start3A_161 = tpu.memref_slice %arg3[%squeeze3A_151, %dma_start3A_160] : memref<114688x64xf32, #tpu.memory_space<hbm>> -> memref<1x64xf32, #tpu.memory_space<hbm>>
      tpu.enqueue_dma source(%dma_start3A_161 : memref<1x64xf32, #tpu.memory_space<hbm>>) target(%dma_start3A_159 : memref<1x64xf32, #tpu.memory_space<vmem>>) target_semaphore(%arg8 : memref<!tpu.dma_semaphore, #tpu.memory_space<semaphore_mem>>)
      %slice3A_162 = vector.extract_strided_slice %select_n3A {offsets = [10], sizes = [1], strides = [1]} : vector<16xi32> to vector<1xi32>
      %squeeze3A_163 = vector.extract %slice3A_162[0] : i32 from vector<1xi32>
      %add3A_164 = arith.constant 10 : i32
      %add3A_165 = arith.addi %mul3A_28, %add3A_164 : i32
      %dma_start3A_166 = arith.constant 0 : i32
      %dma_start3A_167 = tpu.memref_slice %arg6[%add3A_165, %dma_start3A_166] : memref<512x64xf32, #tpu.memory_space<vmem>> -> memref<1x64xf32, #tpu.memory_space<vmem>>
      %dma_start3A_168 = arith.constant 0 : i32
      %dma_start3A_169 = tpu.memref_slice %arg3[%squeeze3A_163, %dma_start3A_168] : memref<114688x64xf32, #tpu.memory_space<hbm>> -> memref<1x64xf32, #tpu.memory_space<hbm>>
      %dma_start3A_170 = arith.constant 0 : i32
      %dma_start3A_171 = tpu.memref_slice %arg6[%add3A_165, %dma_start3A_170] : memref<512x64xf32, #tpu.memory_space<vmem>> -> memref<1x64xf32, #tpu.memory_space<vmem>>
      %dma_start3A_172 = arith.constant 0 : i32
      %dma_start3A_173 = tpu.memref_slice %arg3[%squeeze3A_163, %dma_start3A_172] : memref<114688x64xf32, #tpu.memory_space<hbm>> -> memref<1x64xf32, #tpu.memory_space<hbm>>
      tpu.enqueue_dma source(%dma_start3A_173 : memref<1x64xf32, #tpu.memory_space<hbm>>) target(%dma_start3A_171 : memref<1x64xf32, #tpu.memory_space<vmem>>) target_semaphore(%arg8 : memref<!tpu.dma_semaphore, #tpu.memory_space<semaphore_mem>>)
      %slice3A_174 = vector.extract_strided_slice %select_n3A {offsets = [11], sizes = [1], strides = [1]} : vector<16xi32> to vector<1xi32>
      %squeeze3A_175 = vector.extract %slice3A_174[0] : i32 from vector<1xi32>
      %add3A_176 = arith.constant 11 : i32
      %add3A_177 = arith.addi %mul3A_28, %add3A_176 : i32
      %dma_start3A_178 = arith.constant 0 : i32
      %dma_start3A_179 = tpu.memref_slice %arg6[%add3A_177, %dma_start3A_178] : memref<512x64xf32, #tpu.memory_space<vmem>> -> memref<1x64xf32, #tpu.memory_space<vmem>>
      %dma_start3A_180 = arith.constant 0 : i32
      %dma_start3A_181 = tpu.memref_slice %arg3[%squeeze3A_175, %dma_start3A_180] : memref<114688x64xf32, #tpu.memory_space<hbm>> -> memref<1x64xf32, #tpu.memory_space<hbm>>
      %dma_start3A_182 = arith.constant 0 : i32
      %dma_start3A_183 = tpu.memref_slice %arg6[%add3A_177, %dma_start3A_182] : memref<512x64xf32, #tpu.memory_space<vmem>> -> memref<1x64xf32, #tpu.memory_space<vmem>>
      %dma_start3A_184 = arith.constant 0 : i32
      %dma_start3A_185 = tpu.memref_slice %arg3[%squeeze3A_175, %dma_start3A_184] : memref<114688x64xf32, #tpu.memory_space<hbm>> -> memref<1x64xf32, #tpu.memory_space<hbm>>
      tpu.enqueue_dma source(%dma_start3A_185 : memref<1x64xf32, #tpu.memory_space<hbm>>) target(%dma_start3A_183 : memref<1x64xf32, #tpu.memory_space<vmem>>) target_semaphore(%arg8 : memref<!tpu.dma_semaphore, #tpu.memory_space<semaphore_mem>>)
      %slice3A_186 = vector.extract_strided_slice %select_n3A {offsets = [12], sizes = [1], strides = [1]} : vector<16xi32> to vector<1xi32>
      %squeeze3A_187 = vector.extract %slice3A_186[0] : i32 from vector<1xi32>
      %add3A_188 = arith.constant 12 : i32
      %add3A_189 = arith.addi %mul3A_28, %add3A_188 : i32
      %dma_start3A_190 = arith.constant 0 : i32
      %dma_start3A_191 = tpu.memref_slice %arg6[%add3A_189, %dma_start3A_190] : memref<512x64xf32, #tpu.memory_space<vmem>> -> memref<1x64xf32, #tpu.memory_space<vmem>>
      %dma_start3A_192 = arith.constant 0 : i32
      %dma_start3A_193 = tpu.memref_slice %arg3[%squeeze3A_187, %dma_start3A_192] : memref<114688x64xf32, #tpu.memory_space<hbm>> -> memref<1x64xf32, #tpu.memory_space<hbm>>
      %dma_start3A_194 = arith.constant 0 : i32
      %dma_start3A_195 = tpu.memref_slice %arg6[%add3A_189, %dma_start3A_194] : memref<512x64xf32, #tpu.memory_space<vmem>> -> memref<1x64xf32, #tpu.memory_space<vmem>>
      %dma_start3A_196 = arith.constant 0 : i32
      %dma_start3A_197 = tpu.memref_slice %arg3[%squeeze3A_187, %dma_start3A_196] : memref<114688x64xf32, #tpu.memory_space<hbm>> -> memref<1x64xf32, #tpu.memory_space<hbm>>
      tpu.enqueue_dma source(%dma_start3A_197 : memref<1x64xf32, #tpu.memory_space<hbm>>) target(%dma_start3A_195 : memref<1x64xf32, #tpu.memory_space<vmem>>) target_semaphore(%arg8 : memref<!tpu.dma_semaphore, #tpu.memory_space<semaphore_mem>>)
      %slice3A_198 = vector.extract_strided_slice %select_n3A {offsets = [13], sizes = [1], strides = [1]} : vector<16xi32> to vector<1xi32>
      %squeeze3A_199 = vector.extract %slice3A_198[0] : i32 from vector<1xi32>
      %add3A_200 = arith.constant 13 : i32
      %add3A_201 = arith.addi %mul3A_28, %add3A_200 : i32
      %dma_start3A_202 = arith.constant 0 : i32
      %dma_start3A_203 = tpu.memref_slice %arg6[%add3A_201, %dma_start3A_202] : memref<512x64xf32, #tpu.memory_space<vmem>> -> memref<1x64xf32, #tpu.memory_space<vmem>>
      %dma_start3A_204 = arith.constant 0 : i32
      %dma_start3A_205 = tpu.memref_slice %arg3[%squeeze3A_199, %dma_start3A_204] : memref<114688x64xf32, #tpu.memory_space<hbm>> -> memref<1x64xf32, #tpu.memory_space<hbm>>
      %dma_start3A_206 = arith.constant 0 : i32
      %dma_start3A_207 = tpu.memref_slice %arg6[%add3A_201, %dma_start3A_206] : memref<512x64xf32, #tpu.memory_space<vmem>> -> memref<1x64xf32, #tpu.memory_space<vmem>>
      %dma_start3A_208 = arith.constant 0 : i32
      %dma_start3A_209 = tpu.memref_slice %arg3[%squeeze3A_199, %dma_start3A_208] : memref<114688x64xf32, #tpu.memory_space<hbm>> -> memref<1x64xf32, #tpu.memory_space<hbm>>
      tpu.enqueue_dma source(%dma_start3A_209 : memref<1x64xf32, #tpu.memory_space<hbm>>) target(%dma_start3A_207 : memref<1x64xf32, #tpu.memory_space<vmem>>) target_semaphore(%arg8 : memref<!tpu.dma_semaphore, #tpu.memory_space<semaphore_mem>>)
      %slice3A_210 = vector.extract_strided_slice %select_n3A {offsets = [14], sizes = [1], strides = [1]} : vector<16xi32> to vector<1xi32>
      %squeeze3A_211 = vector.extract %slice3A_210[0] : i32 from vector<1xi32>
      %add3A_212 = arith.constant 14 : i32
      %add3A_213 = arith.addi %mul3A_28, %add3A_212 : i32
      %dma_start3A_214 = arith.constant 0 : i32
      %dma_start3A_215 = tpu.memref_slice %arg6[%add3A_213, %dma_start3A_214] : memref<512x64xf32, #tpu.memory_space<vmem>> -> memref<1x64xf32, #tpu.memory_space<vmem>>
      %dma_start3A_216 = arith.constant 0 : i32
      %dma_start3A_217 = tpu.memref_slice %arg3[%squeeze3A_211, %dma_start3A_216] : memref<114688x64xf32, #tpu.memory_space<hbm>> -> memref<1x64xf32, #tpu.memory_space<hbm>>
      %dma_start3A_218 = arith.constant 0 : i32
      %dma_start3A_219 = tpu.memref_slice %arg6[%add3A_213, %dma_start3A_218] : memref<512x64xf32, #tpu.memory_space<vmem>> -> memref<1x64xf32, #tpu.memory_space<vmem>>
      %dma_start3A_220 = arith.constant 0 : i32
      %dma_start3A_221 = tpu.memref_slice %arg3[%squeeze3A_211, %dma_start3A_220] : memref<114688x64xf32, #tpu.memory_space<hbm>> -> memref<1x64xf32, #tpu.memory_space<hbm>>
      tpu.enqueue_dma source(%dma_start3A_221 : memref<1x64xf32, #tpu.memory_space<hbm>>) target(%dma_start3A_219 : memref<1x64xf32, #tpu.memory_space<vmem>>) target_semaphore(%arg8 : memref<!tpu.dma_semaphore, #tpu.memory_space<semaphore_mem>>)
      %slice3A_222 = vector.extract_strided_slice %select_n3A {offsets = [15], sizes = [1], strides = [1]} : vector<16xi32> to vector<1xi32>
      %squeeze3A_223 = vector.extract %slice3A_222[0] : i32 from vector<1xi32>
      %add3A_224 = arith.constant 15 : i32
      %add3A_225 = arith.addi %mul3A_28, %add3A_224 : i32
      %dma_start3A_226 = arith.constant 0 : i32
      %dma_start3A_227 = tpu.memref_slice %arg6[%add3A_225, %dma_start3A_226] : memref<512x64xf32, #tpu.memory_space<vmem>> -> memref<1x64xf32, #tpu.memory_space<vmem>>
      %dma_start3A_228 = arith.constant 0 : i32
      %dma_start3A_229 = tpu.memref_slice %arg3[%squeeze3A_223, %dma_start3A_228] : memref<114688x64xf32, #tpu.memory_space<hbm>> -> memref<1x64xf32, #tpu.memory_space<hbm>>
      %dma_start3A_230 = arith.constant 0 : i32
      %dma_start3A_231 = tpu.memref_slice %arg6[%add3A_225, %dma_start3A_230] : memref<512x64xf32, #tpu.memory_space<vmem>> -> memref<1x64xf32, #tpu.memory_space<vmem>>
      %dma_start3A_232 = arith.constant 0 : i32
      %dma_start3A_233 = tpu.memref_slice %arg3[%squeeze3A_223, %dma_start3A_232] : memref<114688x64xf32, #tpu.memory_space<hbm>> -> memref<1x64xf32, #tpu.memory_space<hbm>>
      tpu.enqueue_dma source(%dma_start3A_233 : memref<1x64xf32, #tpu.memory_space<hbm>>) target(%dma_start3A_231 : memref<1x64xf32, #tpu.memory_space<vmem>>) target_semaphore(%arg8 : memref<!tpu.dma_semaphore, #tpu.memory_space<semaphore_mem>>)
      %scan3A_234 = arith.constant 0 : i32
      scf.yield %scan3A_234 : i32
    }
    %scan3A_18 = arith.constant 32 : i32
    %dma_wait3A_19 = arith.constant 0 : i32
    %dma_wait3A_20 = arith.constant 0 : i32
    %dma_wait3A_21 = tpu.memref_slice %arg3[%dma_wait3A_19, %dma_wait3A_20] : memref<114688x64xf32, #tpu.memory_space<hbm>> -> memref<512x64xf32, #tpu.memory_space<hbm>>
    %dma_wait3A_22 = arith.constant 0 : i32
    %dma_wait3A_23 = arith.constant 0 : i32
    %dma_wait3A_24 = tpu.memref_slice %arg3[%dma_wait3A_22, %dma_wait3A_23] : memref<114688x64xf32, #tpu.memory_space<hbm>> -> memref<512x64xf32, #tpu.memory_space<hbm>>
    tpu.wait_dma2 semaphore(%arg8 : memref<!tpu.dma_semaphore, #tpu.memory_space<semaphore_mem>>) src(%dma_wait3A_24 : memref<512x64xf32, #tpu.memory_space<hbm>>) dst(%arg6 : memref<512x64xf32, #tpu.memory_space<vmem>>)
    "tpu.region"() ({
      %run_scoped3A = tpu.sem_alloc : memref<!tpu.dma_semaphore, #tpu.memory_space<semaphore_mem>>
      %dma_start3A_25 = arith.constant 0 : i32
      %dma_start3A_26 = tpu.memref_slice %arg4[%mul3A_2, %dma_start3A_25] : memref<16384x128xf32, #tpu.memory_space<hbm>> -> memref<512x64xf32, #tpu.memory_space<hbm>>
      %dma_start3A_27 = arith.constant 0 : i32
      %dma_start3A_28 = tpu.memref_slice %arg4[%mul3A_2, %dma_start3A_27] : memref<16384x128xf32, #tpu.memory_space<hbm>> -> memref<512x64xf32, #tpu.memory_space<hbm>>
      tpu.enqueue_dma source(%arg6 : memref<512x64xf32, #tpu.memory_space<vmem>>) target(%dma_start3A_28 : memref<512x64xf32, #tpu.memory_space<hbm>>) target_semaphore(%run_scoped3A : memref<!tpu.dma_semaphore, #tpu.memory_space<semaphore_mem>>)
      %dma_wait3A_29 = arith.constant 0 : i32
      %dma_wait3A_30 = tpu.memref_slice %arg4[%mul3A_2, %dma_wait3A_29] : memref<16384x128xf32, #tpu.memory_space<hbm>> -> memref<512x64xf32, #tpu.memory_space<hbm>>
      %dma_wait3A_31 = arith.constant 0 : i32
      %dma_wait3A_32 = tpu.memref_slice %arg4[%mul3A_2, %dma_wait3A_31] : memref<16384x128xf32, #tpu.memory_space<hbm>> -> memref<512x64xf32, #tpu.memory_space<hbm>>
      tpu.wait_dma2 semaphore(%run_scoped3A : memref<!tpu.dma_semaphore, #tpu.memory_space<semaphore_mem>>) src(%arg6 : memref<512x64xf32, #tpu.memory_space<vmem>>) dst(%dma_wait3A_32 : memref<512x64xf32, #tpu.memory_space<hbm>>)
      tpu.yield
    }) : () -> ()
    return
  }
}

module attributes {stable_mosaic.version = 14 : i64} {
  func.func @_proj_body(%arg0: i32, %arg1: memref<2048x128xf32, #tpu.memory_space<vmem>>, %arg2: memref<64x128xf32, #tpu.memory_space<vmem>>, %arg3: memref<1x128xf32, #tpu.memory_space<vmem>>, %arg4: memref<2048x128xf32, #tpu.memory_space<vmem>>) attributes {dimension_semantics = [#tpu.dimension_semantics<arbitrary>], iteration_bounds = array<i64: 8>, scalar_prefetch = 0 : i64, scratch_operands = 0 : i64, tpu.core_type = #tpu.core_type<tc>, window_params = [{transform_indices = @transform_0, window_bounds = array<i64: 2048, 128>}, {pipeline_mode = #tpu.pipeline_mode<synchronous>, transform_indices = @transform_1, window_bounds = array<i64: 64, 128>}, {pipeline_mode = #tpu.pipeline_mode<synchronous>, transform_indices = @transform_2, window_bounds = array<i64: 1, 128>}, {transform_indices = @transform_3, window_bounds = array<i64: 2048, 128>}]} {
    %get3A = arith.constant 0 : index
    %get3A_0 = arith.constant 0 : index
    %get3A_1 = vector.load %arg1[%get3A, %get3A_0] : memref<2048x128xf32, #tpu.memory_space<vmem>>, vector<2048x64xf32>
    %get3A_2 = arith.constant 0 : index
    %get3A_3 = arith.constant 0 : index
    %get3A_4 = vector.load %arg2[%get3A_2, %get3A_3] : memref<64x128xf32, #tpu.memory_space<vmem>>, vector<64x128xf32>
    %dot_general3A = arith.constant dense<0.000000e+00> : vector<2048x128xf32>
    %dot_general3A_5 = tpu.matmul %get3A_1, %get3A_4, %dot_general3A {dimension_numbers = #tpu.dot_dimension_numbers<[1], [0], [0], [1], [0, 0, 1, 1], [], []>, transpose_lhs_hint = false} : vector<2048x64xf32>, vector<64x128xf32>, vector<2048x128xf32> -> vector<2048x128xf32>
    %get3A_6 = arith.constant 0 : index
    %get3A_7 = arith.constant 0 : index
    %get3A_8 = vector.load %arg3[%get3A_6, %get3A_7] : memref<1x128xf32, #tpu.memory_space<vmem>>, vector<1x128xf32>
    %add3A = vector.broadcast %get3A_8 : vector<1x128xf32> to vector<2048x128xf32>
    %add3A_9 = arith.addf %dot_general3A_5, %add3A : vector<2048x128xf32>
    %swap3A = arith.constant 0 : index
    %swap3A_10 = arith.constant 0 : index
    %swap3A_11 = vector.load %arg4[%swap3A, %swap3A_10] : memref<2048x128xf32, #tpu.memory_space<vmem>>, vector<2048x128xf32>
    tpu.vector_store %arg4[%swap3A, %swap3A_10], %add3A_9 {strides = array<i32>} : memref<2048x128xf32, #tpu.memory_space<vmem>>, vector<2048x128xf32>,
    return
  }
  func.func @transform_0(%arg0: i32) -> (i32, i32) {
    %c0_i32 = arith.constant 0 : i32
    %c0_i32_0 = arith.constant 0 : i32
    return %arg0, %c0_i32 : i32, i32
  }
  func.func @transform_1(%arg0: i32) -> (i32, i32) {
    %c0_i32 = arith.constant 0 : i32
    %c0_i32_0 = arith.constant 0 : i32
    %c0_i32_1 = arith.constant 0 : i32
    return %c0_i32, %c0_i32_0 : i32, i32
  }
  func.func @transform_2(%arg0: i32) -> (i32, i32) {
    %c0_i32 = arith.constant 0 : i32
    %c0_i32_0 = arith.constant 0 : i32
    %c0_i32_1 = arith.constant 0 : i32
    return %c0_i32, %c0_i32_0 : i32, i32
  }
  func.func @transform_3(%arg0: i32) -> (i32, i32) {
    %c0_i32 = arith.constant 0 : i32
    %c0_i32_0 = arith.constant 0 : i32
    return %arg0, %c0_i32 : i32, i32
  }
}

module attributes {stable_mosaic.version = 14 : i64} {
  func.func @_untranspose_body(%arg0: i32, %arg1: memref<64x8192xf32, #tpu.memory_space<vmem>>, %arg2: memref<64x8192xf32, #tpu.memory_space<vmem>>, %arg3: memref<8192x128xf32, #tpu.memory_space<vmem>>) attributes {dimension_semantics = [#tpu.dimension_semantics<arbitrary>], iteration_bounds = array<i64: 7>, scalar_prefetch = 0 : i64, scratch_operands = 0 : i64, tpu.core_type = #tpu.core_type<tc>, window_params = [{transform_indices = @transform_0, window_bounds = array<i64: 64, 8192>}, {transform_indices = @transform_1, window_bounds = array<i64: 64, 8192>}, {transform_indices = @transform_2, window_bounds = array<i64: 8192, 128>}]} {
    %get3A = arith.constant 0 : index
    %get3A_0 = arith.constant 0 : index
    %get3A_1 = vector.load %arg1[%get3A, %get3A_0] : memref<64x8192xf32, #tpu.memory_space<vmem>>, vector<64x8192xf32>
    %get3A_2 = arith.constant 0 : index
    %get3A_3 = arith.constant 0 : index
    %get3A_4 = vector.load %arg2[%get3A_2, %get3A_3] : memref<64x8192xf32, #tpu.memory_space<vmem>>, vector<64x8192xf32>
    %concatenate3A = tpu.concatenate %get3A_1, %get3A_4 in 0 : vector<64x8192xf32>, vector<64x8192xf32> -> vector<128x8192xf32>
    %transpose3A = tpu.transpose %concatenate3A, [1, 0] : vector<128x8192xf32> -> vector<8192x128xf32>
    %swap3A = arith.constant 0 : index
    %swap3A_5 = arith.constant 0 : index
    %swap3A_6 = vector.load %arg3[%swap3A, %swap3A_5] : memref<8192x128xf32, #tpu.memory_space<vmem>>, vector<8192x128xf32>
    tpu.vector_store %arg3[%swap3A, %swap3A_5], %transpose3A {strides = array<i32>} : memref<8192x128xf32, #tpu.memory_space<vmem>>, vector<8192x128xf32>,
    return
  }
  func.func @transform_0(%arg0: i32) -> (i32, i32) {
    %c0_i32 = arith.constant 0 : i32
    %c0_i32_0 = arith.constant 0 : i32
    return %c0_i32, %arg0 : i32, i32
  }
  func.func @transform_1(%arg0: i32) -> (i32, i32) {
    %add3A = arith.constant 7 : i32
    %add3A_0 = arith.addi %arg0, %add3A : i32
    %min3A = arith.constant 12 : i32
    %min3A_1 = arith.minsi %add3A_0, %min3A : i32
    %c0_i32 = arith.constant 0 : i32
    %c0_i32_2 = arith.constant 0 : i32
    return %c0_i32, %min3A_1 : i32, i32
  }
  func.func @transform_2(%arg0: i32) -> (i32, i32) {
    %c0_i32 = arith.constant 0 : i32
    %c0_i32_0 = arith.constant 0 : i32
    return %arg0, %c0_i32 : i32, i32
  }
}

</mosaic_0001>

<sc_bundles>
// kernel: kernel.5.cloned.1.call-start
scs
__scs_entry_jumppad:
0x0: {  	(pc) =	sbr.rel $0x88, $3  }
0x1: {  	(tag) =	ssettag $0x0;
	lr =	simm.s32 $0x1  }
0x2: {  	[smem:$0x3F9D] =	sst lr;
	_ =	strace $0xD0000000  }
0x3: {  	_ = 	snop  }
0x4: {  	_ = 	snop  }
0x5: {  	_ = 	snop  }
0x6: {  	_ = 	snop  }
0x7: {  	_ = 	snop  }
__scs_overlays_trampoline_lowered:
0x8: {  	[smem:$0x3FAC] =	sst s0  }
0x9: {  	[smem:$0x3FAD] =	sst s1  }
0xa: {  	[smem:$0x3FAE] =	sst s2  }
0xb: {  	[smem:$0x3FAF] =	sst s3  }
0xc: {  	[smem:$0x3FB0] =	sst s4  }
0xd: {  	[smem:$0x3FB1] =	sst s5  }
0xe: {  	[smem:$0x3FB2] =	sst s6  }
0xf: {  	[smem:$0x3FB3] =	sst s7  }
0x10: {  	[smem:$0x3FB4] =	sst s8  }
0x11: {  	[smem:$0x3FB5] =	sst s9;
	s0 =	simm.s32 @!p0 $0x0  }
0x12: {  	s1 =	sld [smem:$0x3F9B];
	s0 =	simm.s32 @p0 $0x1  }
0x13: {  	[smem:$0x3FB6] =	sst s0;
	s0 =	simm.s32 @!p1 $0x0  }
0x14: {  	s2 =	sld [smem:$0x3F9A];
	s0 =	simm.s32 @p1 $0x1  }
0x15: {  	[smem:$0x3FB7] =	sst s0;
	s0 =	simm.s32 @!p2 $0x0  }
0x16: {  	s3 =	sld [smem:$0x3FDB];
	s0 =	simm.s32 @p2 $0x1  }
0x17: {  	s4 =	simm.s32 $0x1BF5;
	[smem:$0x3FB9] =	sst s0  }
0x18: {  	s0 =	sld [smem:$0x3F9C];
	_ =	swait.ge [sflag:s4], $0x0  }
0x19: {  	s7 =	sld [smem:$0x3F9D]  }
0x1a: {  	s8 =	sadd.s32 $0xFFFFE003, lr  }
0x1b: {  	s9 =	sadd.s32 $0xFFFFFEF7, lr;
	s5 =	simm.s32 $0xFFFFFFFF;
	p2 =	slt.u32 s8, $0xFFFFF086  }
0x1c: {  	p1 =	slt.u32 s9, $0xF7A;
	s5 =	simm.s32 @!p2 $0x0  }
0x1d: {  	s5 =	simm.s32 @p1 $0x1;
	p0 =	seq.s32 s7, s2  }
0x1e: {  	s7 =	smul.u32 @!p0 $0xF7A, s2;
	p2 =	seq.s32 @!p0 s5, $0x0  }
0x1f: {  	s9 =	smul.u32 $0xF7A, s1;
	s8 =	simm.s32 @!p0 $0x1BF5;
	p2 =	por !p2, p0  }
0x20: {  	[sflag:s8] =	ssyncset.s32 @!p0 $0xFFFFF086;
	s6 =	sadd.s32 @!p0 s3, s7;
	s7 =	simm.s32 @!p0 $0x108  }
0x21: {  	s3 =	sadd.s32 s3, s9;
	s6 =	sadd.s32 @!p0 $0x88, s6;
	s7 =	simm.s32 @p2 $0x1082  }
0x22: {  	[simem:s7], [sflag:s8] =	dma.local @!p0 [hbm:s6], $0xF7A  }
0x23: {  	s9 =	sor.u32 $0xD0000000, s2;
	s6 =	simm.s32 $0x108;
	_ =	swait.ge @!p0 [sflag:s8], $0x0  }
0x24: {  	s3 =	sadd.s32 $0x88, s3;
	s6 =	simm.s32 @!p1 $0x1082;
	[sflag:s4] =	ssyncset.s32 $0xFFFFF086  }
0x25: {  	[simem:s6], [sflag:s4] =	dma.local [hbm:s3], $0xF7A  }
0x26: {  	[smem:$0x3F9D] =	sst s1;
	(tag) =	ssettag s2;
	_ =	strace s9  }
0x27: {  	s1 =	sld [smem:$0x3FAD]  }
0x28: {  	s2 =	sld [smem:$0x3FAE]  }
0x29: {  	s4 =	sld [smem:$0x3FB0]  }
0x2a: {  	p0 =	seq.s32 s5, $0x0;
	s5 =	sld [smem:$0x3FB1]  }
0x2b: {  	s6 =	sld [smem:$0x3FB2]  }
0x2c: {  	s7 =	sld [smem:$0x3FB3]  }
0x2d: {  	s3 =	simm.s32 $0x108;
	s8 =	sld [smem:$0x3FB4]  }
0x2e: {  	s3 =	simm.s32 @!p0 $0x1082;
	s9 =	sld [smem:$0x3FB5]  }
0x2f: {  	lr =	sadd.s32 s0, s3;
	s0 =	sld [smem:$0x3FAC]  }
0x30: {  	s3 =	sld [smem:$0x3FAF]  }
0x31: {  	[smem:$0x3FB8] =	sst s10  }
0x32: {  	s10 =	sld [smem:$0x3FB6];
	_ =	sdelay $0x3  }
0x33: {  	p0 =	seq.s32 s10, $0x1;
	s10 =	sld [smem:$0x3FB8];
	_ =	sdelay $0x3  }
0x34: {  	[smem:$0x3FB8] =	sst s10  }
0x35: {  	s10 =	sld [smem:$0x3FB7];
	_ =	sdelay $0x3  }
0x36: {  	p1 =	seq.s32 s10, $0x1;
	s10 =	sld [smem:$0x3FB8];
	_ =	sdelay $0x3  }
0x37: {  	[smem:$0x3FB8] =	sst s10  }
0x38: {  	s10 =	sld [smem:$0x3FB9]  }
0x39: {  	_ = 	snop;
	(pc) =	sbr.ind lr, $3  }
0x3a: {  	_ = 	snop  }
0x3b: {  	_ = 	snop  }
0x3c: {  	p2 =	seq.s32 s10, $0x1;
	s10 =	sld [smem:$0x3FB8]  }
0x3d: {  	_ =	shalt  }
0x3e: {  	_ =	shalt  }
0x3f: {  	_ =	shalt  }
0x40: {  	_ =	shalt  }
0x41: {  	_ =	shalt  }
0x42: {  	_ =	shalt  }
0x43: {  	_ =	shalt  }
0x44: {  	_ =	shalt  }
0x45: {  	_ =	shalt  }
0x46: {  	_ =	shalt  }
0x47: {  	_ =	shalt  }
0x48: {  	_ =	shalt  }
0x49: {  	_ =	shalt  }
0x4a: {  	_ =	shalt  }
0x4b: {  	_ =	shalt  }
0x4c: {  	_ =	shalt  }
0x4d: {  	_ =	shalt  }
0x4e: {  	_ =	shalt  }
0x4f: {  	_ =	shalt  }
0x50: {  	_ =	shalt  }
0x51: {  	_ =	shalt  }
0x52: {  	_ =	shalt  }
0x53: {  	_ =	shalt  }
0x54: {  	_ =	shalt  }
0x55: {  	_ =	shalt  }
0x56: {  	_ =	shalt  }
0x57: {  	_ =	shalt  }
0x58: {  	_ =	shalt  }
0x59: {  	_ =	shalt  }
0x5a: {  	_ =	shalt  }
0x5b: {  	_ =	shalt  }
0x5c: {  	_ =	shalt  }
0x5d: {  	_ =	shalt  }
0x5e: {  	_ =	shalt  }
0x5f: {  	_ =	shalt  }
0x60: {  	_ =	shalt  }
0x61: {  	_ =	shalt  }
0x62: {  	_ =	shalt  }
0x63: {  	_ =	shalt  }
0x64: {  	_ =	shalt  }
0x65: {  	_ =	shalt  }
0x66: {  	_ =	shalt  }
0x67: {  	_ =	shalt  }
0x68: {  	_ =	shalt  }
0x69: {  	_ =	shalt  }
0x6a: {  	_ =	shalt  }
0x6b: {  	_ =	shalt  }
0x6c: {  	_ =	shalt  }
0x6d: {  	_ =	shalt  }
0x6e: {  	_ =	shalt  }
0x6f: {  	_ =	shalt  }
0x70: {  	_ =	shalt  }
0x71: {  	_ =	shalt  }
0x72: {  	_ =	shalt  }
0x73: {  	_ =	shalt  }
0x74: {  	_ =	shalt  }
0x75: {  	_ =	shalt  }
0x76: {  	_ =	shalt  }
0x77: {  	_ =	shalt  }
0x78: {  	_ =	shalt  }
0x79: {  	_ =	shalt  }
0x7a: {  	_ =	shalt  }
0x7b: {  	_ =	shalt  }
0x7c: {  	_ =	shalt  }
0x7d: {  	_ =	shalt  }
0x7e: {  	_ =	shalt  }
0x7f: {  	_ =	shalt  }
0x80: {  	_ =	shalt  }
0x81: {  	_ =	shalt  }
0x82: {  	_ =	shalt  }
0x83: {  	_ =	shalt  }
0x84: {  	_ =	shalt  }
0x85: {  	_ =	shalt  }
0x86: {  	_ =	shalt  }
0x87: {  	_ =	shalt  }
.Lfunc_end0:
.L_simem_size_0:
called_computation_lowered:
.L_overlay_start_0:
0x88: {  	s2 =	sld [smem:$0x3FD9]  }
0x89: {  	s3 =	sld [smem:$0x3FFE];
	_ =	sdelay $0x1  }
0x8a: {  	s1 =	srdreg.scid  }
0x8b: {  	s0 =	sand.u32 $0x1, s1  }
0x8c: {  	s17 =	sshll.u32 s0, $0xA;
	s2 =	sadd.s32 s3, s2  }
0x8d: {  	s2 =	sadd.s32 s2, s17  }
0x8e: {  	[smem:$0x3FC4] =	sst s2  }
0x8f: {  	_ = 	snop  }
0x90: {  	s2 =	sld [smem:$0x3FC9]  }
0x91: {  	s18 =	sld [smem:$0x3FD0];
	(tm) =	ssettm $0x1  }
0x92: {  	s4 =	sld [smem:$0x3FFB];
	_ =	sdelay $0x3  }
0x93: {  	_ =	strace s4  }
0x94: {  	s4 =	sld [smem:$0x3FFC];
	_ =	sdelay $0x3  }
0x95: {  	_ =	strace s4  }
0x96: {  	s4 =	sld [smem:$0x3FFD];
	_ =	sdelay $0x3  }
0x97: {  	_ =	strace s4  }
0x98: {  	_ =	strace $0x8FFFFFFF  }
0x99: {  	s19 =	sld [smem:$0x3FDB];
	_ =	sdelay $0x1  }
0x9a: {  	s5 =	simm.s32 $_scs_section_size  }
0x9b: {  	s6 =	simm.s32 $_size__tile_overlayer_lowered;
	s7 =	simm.s32 $_tile_overlayer_lowered  }
0x9c: {  	s22 =	simm.s32 $0x1BFF;
	s21 =	sshll.u32 s7, $0x1;
	s4 =	sadd.s32 s5, s19  }
0x9d: {  	s8 =	simm.s32 $0x0;
	s20 =	sshll.u32 s6, $0x1;
	s6 =	sadd.s32 s21, s4  }
0x9e: {  	[timem:s8], [sflag:s22] =	dma.local [hbm:s6], s20  }
0x9f: {  	_ =	swait.ge [sflag:s22], s20  }
0xa0: {  	s5 =	ssub.s32 $0x0, s20;
	[sflag:s22] =	ssyncset.done $0x0  }
0xa1: {  	[sflag:s22] =	ssyncadd.s32 s5;
	_ =	sdelay $0x1  }
0xa2: {  	s23 =	simm.s32 $0x1B8B  }
0xa3: {  	_ =	swait.ge [sflag:s23], $0x1  }
0xa4: {  	[sflag:s23] =	ssyncset.done $0x0  }
0xa5: {  	s25 =	simm.s32 $0x1B8E;
	s24 =	sld [smem:$0x3FFE];
	[sflag:s23] =	ssyncadd.s32 $0xFFFFFFFF  }
0xa6: {  	s26 =	simm.s32 $execute0_lowered;
	[smem:$0x3FD2] =	sst s25  }
0xa7: {  	s6 =	sshll.u32 s26, $0x1;
	_ =	strace $0x80000046;
	[dreg:$0x1] =	wrdreg $0xFFFFFFFF  }
0xa8: {  	s28 =	simm.s32 $_size_execute0_lowered;
	s4 =	sadd.s32 s4, s6;
	[dreg:$0x0] =	wrdreg $0x0  }
0xa9: {  	s6 =	sshll.u32 s28, $0x1;
	[dreg:$0x2] =	wrdreg s4  }
0xaa: {  	[dreg:$0x3] =	wrdreg s6  }
0xab: {  	[dreg:$0x4] =	wrdreg $0xC0  }
0xac: {  	_ =	task [dreg:s8], $0x5FFFF  }
0xad: {  	[dreg:$0x1] =	wrdreg $0xFFFFFFFF  }
0xae: {  	[dreg:$0x0] =	wrdreg $0x60  }
0xaf: {  	[dreg:$0x2] =	wrdreg s2  }
0xb0: {  	[dreg:$0x3] =	wrdreg s24  }
0xb1: {  	[dreg:$0x4] =	wrdreg s18  }
0xb2: {  	[dreg:$0x5] =	wrdreg $0x9  }
0xb3: {  	_ =	task.clear_ibuf [dreg:s8], $0x6FFFF;
	_ =	strace $0x90000046  }
0xb4: {  	s29 =	simm.s32 $0x9;
	_ =	strace $0x80000048  }
0xb5: {  	_ =	swait.ge [sflag:s29], $0x1  }
0xb6: {  	[sflag:s29] =	ssyncadd.s32 $0xFFFFFFFF  }
0xb7: {  	_ =	strace $0x90000048  }
0xb8: {  	_ =	sfence  }
0xb9: {  	s30 =	sld [smem:$0x0];
	_ =	sdelay $0x2  }
0xba: {  	s31 =	sshll.u32 s1, $0xD;
	s1 =	sshrl.u32 s1, $0x2  }
0xbb: {  	s3 =	sand.u32 $0x4000, s31;
	s1 =	sadd.s32 s1, s30  }
0xbc: {  	s0 =	sor.u32 s3, s0;
	s1 =	sshll.u32 s1, $0x11  }
0xbd: {  	s0 =	sor.u32 s1, s0  }
0xbe: {  	s0 =	sadd.s32 $0x8F2B, s0  }
0xbf: {  	[sflag:s0] =	ssyncadd.remote.s32 $0x1  }
0xc0: {  	_ =	sfence.sel $0xFFFF  }
0xc1: {  	[dreg:$0x0] =	wrdreg $0xFFFFFFFF;
	(pc) =	sbr.abs _section_cstart, $3  }
0xc2: {  	[dreg:$0x1] =	wrdreg $0xFFFFFFFF  }
0xc3: {  	_ =	task.clear_ibuf [dreg:s8], $0x2FFFF;
	_ =	strace $0x9FFFFFFF  }
0xc4: {  	(tm) =	ssettm $0x7FFFFFFF  }
0xc5: {  	_ =	shalt  }
tec
execute0_lowered:
.L_overlay_start_1:
0x0: {  	(tag) =	ssettag $0x1  }
0x1: {  	s4 =	rddreg [dreg:$0x0]  }
0x2: {  	s3 =	rddreg [dreg:$0x1]  }
0x3: {  	s5 =	rddreg [dreg:$0x2]  }
0x4: {  	s6 =	srdreg.scid;
	s2 =	simm.s32 $0x0;
	s0 =	stileid.u32  }
0x5: {  	s10 =	simm.s32 $0x80;
	s11 =	simm.s32 $0x200;
	s12 =	simm.s32 $0x3  }
0x6: {  	s13 =	simm.s32 $0x0;
	s6 =	sand.u32 $0x1, s6;
	[smem:$0x7FF] =	sst s2  }
0x7: {  	s7 =	sshll.u32 s0, $0xA;
	s3 =	sadd.s32 $0xA00, s3;
	s8 =	sshll.u32 s6, $0x9  }
0x8: {  	_ =	strace $0x80000047;
	s6 =	ssub.s32 $0x2, s6;
	s7 =	sor.u32 s8, s7  }
0x9: {  	s31 =	sshrl.u32 s6, $0x1;
	s8 =	simm.s32 $0x2;
	s9 =	sshrl.u32 s7, $0x3  }
0xa: {  	s6 =	ssub.s32 s6, s31;
	s7 =	sshll.u32 s7, $0x4;
	s4 =	sadd.s32 s4, s9  }
0xb: {  	s5 =	sadd.s32 s5, s7;
	s6 =	smax.u32 s6, $0x1;
	s7 =	simm.s32 $0x1  }
.LBB2_1:
0xc: {  	[tilespmem:s2], [sflag:$0x1] =	stream.linear.gather [hbm4b:s4+s2], $0x200, $0x38;
	[tilespmem:$0x8200] =	vst v63  }
0xd: {  	_ =	swait.ge [sflag:s7], $0x200  }
0xe: {  	[sflag:s7] =	ssyncset.done $0x0  }
0xf: {  	[sflag:s7] =	ssyncadd.s32 $0xFFFFFE00  }
0x10: {  	v0 =	vld [tilespmem:s2+$0x0];
	_ =	sdelay $0x4  }
0x11: {  	v1 =	vshll.u32 v0, $0x1  }
0x12: {  	vm0 =	vlt.s32 v0, $0xE000;
	v0 =	vadd.s32 $0xFFFE4001, v1  }
0x13: {  	v0 =	vsel vm0, v1, v0  }
0x14: {  	v0 =	vshll.u32 v0, $0x3  }
0x15: {  	(v2sf) =	vpush v0, $0x0  }
0x16: {  	(v2sf) =	vpush v0, $0x1  }
0x17: {  	(v2sf) =	vpush v0, $0x2;
	_ =	sdelay $0x1  }
0x18: {  	(v2sf) =	vpush v0, $0x4;
	_ =	sdelay $0x1  }
0x19: {  	(v2sf) =	vpush v0, $0x3  }
0x1a: {  	(v2sf) =	vpush v0, $0x5  }
0x1b: {  	s15 =	simm.s32 $0x1000;
	s14 =	simm.s32 $0x0;
	s16 =	simm.s32 $0x0;
	(v2sf) =	vpush v0, $0x6  }
.LBB2_2:
0x1c: {  	p0 =	sne.s32 s15, $0x1F000  }
0x1d: {  	s26 =	sadd.s32 $0x240, s14;
	s20 =	sadd.s32 $0x4C0, s14;
	s17 =	smov.u32 s15  }
0x1e: {  	s15 =	sadd.s32 $0x1000, s15;
	s23 =	sadd.s32 $0x3C0, s14;
	s18 =	sadd.s32 $0x500, s14;
	(v2sf) =	vpush v0, $0x7  }
0x1f: {  	s25 =	sadd.s32 $0x340, s14;
	s22 =	sadd.s32 $0x400, s14;
	s19 =	sadd.s32 $0x540, s14  }
0x20: {  	s28 =	sadd.s32 $0x200, s14;
	s29 =	sadd.s32 $0x300, s14;
	(v2sf) =	vpush v0, $0x8  }
0x21: {  	s30 =	sadd.s32 $0x380, s14;
	s16 =	sadd.s32 $0x10, s16  }
0x22: {  	s31 =	sadd.s32 $0x280, s14;
	s21 =	sadd.s32 $0x480, s14;
	s24 =	spop (v2sf);
	(v2sf) =	vpush v0, $0x9  }
0x23: {  	s0 =	sand.u32 $0x1FFFFFF8, s24;
	s24 =	sadd.s32 $0x440, s14;
	s1 =	spop (v2sf)  }
0x24: {  	s0 =	sadd.s32 s3, s0;
	s1 =	sand.u32 $0x1FFFFFF8, s1;
	s9 =	spop (v2sf);
	(v2sf) =	vpush v0, $0xA  }
0x25: {  	[tilespmem:s28], [sflag:$0x2] =	stream.linear.gather [hbm4b:s0+s2], $0x40, $0x38;
	[tilespmem:$0x8200] =	vst v63  }
0x26: {  	s0 =	sadd.s32 s3, s1;
	s1 =	sadd.s32 $0x2C0, s14;
	s28 =	spop (v2sf);
	(v2sf) =	vpush v0, $0xB  }
0x27: {  	[tilespmem:s26], [sflag:$0x2] =	stream.linear.gather [hbm4b:s0+s2], $0x40, $0x38;
	[tilespmem:$0x8200] =	vst v63  }
0x28: {  	s0 =	sand.u32 $0x1FFFFFF8, s9;
	s9 =	sand.u32 $0x1FFFFFF8, s28;
	s26 =	spop (v2sf);
	(v2sf) =	vpush v0, $0xC  }
0x29: {  	s0 =	sadd.s32 s3, s0;
	s26 =	sand.u32 $0x1FFFFFF8, s26;
	s28 =	spop (v2sf)  }
0x2a: {  	[tilespmem:s31], [sflag:$0x2] =	stream.linear.gather [hbm4b:s0+s2], $0x40, $0x38;
	(v2sf) =	vpush v0, $0xD;
	[tilespmem:$0x8200] =	vst v63  }
0x2b: {  	s0 =	sadd.s32 s3, s26;
	s26 =	sand.u32 $0x1FFFFFF8, s28;
	s28 =	spop (v2sf)  }
0x2c: {  	[tilespmem:s1], [sflag:$0x2] =	stream.linear.gather [hbm4b:s0+s2], $0x40, $0x38;
	(v2sf) =	vpush v0, $0xE;
	[tilespmem:$0x8200] =	vst v63  }
0x2d: {  	s0 =	sadd.s32 s3, s9;
	s1 =	sand.u32 $0x1FFFFFF8, s28;
	s9 =	spop (v2sf)  }
0x2e: {  	[tilespmem:s29], [sflag:$0x2] =	stream.linear.gather [hbm4b:s0+s2], $0x40, $0x38;
	(v2sf) =	vpush v0, $0xF;
	[tilespmem:$0x8200] =	vst v63  }
0x2f: {  	s0 =	sadd.s32 s3, s26;
	s9 =	sand.u32 $0x1FFFFFF8, s9;
	s26 =	spop (v2sf)  }
0x30: {  	[tilespmem:s25], [sflag:$0x2] =	stream.linear.gather [hbm4b:s0+s2], $0x40, $0x38;
	[tilespmem:$0x8200] =	vst v63  }
0x31: {  	s0 =	sadd.s32 s3, s1;
	s1 =	sand.u32 $0x1FFFFFF8, s26;
	s25 =	spop (v2sf)  }
0x32: {  	[tilespmem:s30], [sflag:$0x2] =	stream.linear.gather [hbm4b:s0+s2], $0x40, $0x38;
	[tilespmem:$0x8200] =	vst v63  }
0x33: {  	s0 =	sadd.s32 s3, s9;
	s9 =	sand.u32 $0x1FFFFFF8, s25;
	s25 =	spop (v2sf)  }
0x34: {  	[tilespmem:s23], [sflag:$0x2] =	stream.linear.gather [hbm4b:s0+s2], $0x40, $0x38;
	[tilespmem:$0x8200] =	vst v63  }
0x35: {  	s0 =	sadd.s32 s3, s1;
	s1 =	sand.u32 $0x1FFFFFF8, s25;
	s23 =	spop (v2sf)  }
0x36: {  	[tilespmem:s22], [sflag:$0x2] =	stream.linear.gather [hbm4b:s0+s2], $0x40, $0x38;
	[tilespmem:$0x8200] =	vst v63  }
0x37: {  	s0 =	sadd.s32 s3, s9;
	s9 =	sand.u32 $0x1FFFFFF8, s23;
	s22 =	spop (v2sf)  }
0x38: {  	[tilespmem:s24], [sflag:$0x2] =	stream.linear.gather [hbm4b:s0+s2], $0x40, $0x38;
	[tilespmem:$0x8200] =	vst v63  }
0x39: {  	s0 =	sadd.s32 s3, s1;
	s1 =	sand.u32 $0x1FFFFFF8, s22;
	s22 =	spop (v2sf)  }
0x3a: {  	[tilespmem:s21], [sflag:$0x2] =	stream.linear.gather [hbm4b:s0+s2], $0x40, $0x38;
	[tilespmem:$0x8200] =	vst v63  }
0x3b: {  	s0 =	sadd.s32 s3, s9;
	s9 =	sand.u32 $0x1FFFFFF8, s22;
	s21 =	spop (v2sf)  }
0x3c: {  	[tilespmem:s20], [sflag:$0x2] =	stream.linear.gather [hbm4b:s0+s2], $0x40, $0x38;
	[tilespmem:$0x8200] =	vst v63  }
0x3d: {  	s0 =	sadd.s32 s3, s1;
	s1 =	sand.u32 $0x1FFFFFF8, s21;
	s20 =	spop (v2sf)  }
0x3e: {  	[tilespmem:s18], [sflag:$0x2] =	stream.linear.gather [hbm4b:s0+s2], $0x40, $0x38;
	[tilespmem:$0x8200] =	vst v63  }
0x3f: {  	s0 =	sadd.s32 s3, s9;
	s9 =	sand.u32 $0x1FFFFFF8, s20  }
0x40: {  	[tilespmem:s19], [sflag:$0x2] =	stream.linear.gather [hbm4b:s0+s2], $0x40, $0x38;
	[tilespmem:$0x8200] =	vst v63  }
0x41: {  	s1 =	sadd.s32 s3, s1;
	s0 =	sadd.s32 $0x580, s14  }
0x42: {  	[tilespmem:s0], [sflag:$0x2] =	stream.linear.gather [hbm4b:s1+s2], $0x40, $0x38;
	[tilespmem:$0x8200] =	vst v63  }
0x43: {  	s0 =	sadd.s32 $0x5C0, s14;
	s1 =	sadd.s32 s3, s9  }
0x44: {  	[tilespmem:s0], [sflag:$0x2] =	stream.linear.gather [hbm4b:s1+s2], $0x40, $0x38;
	[tilespmem:$0x8200] =	vst v63  }
0x45: {  	v0 =	vld [tilespmem:s16+$0x0];
	_ =	sdelay $0x4  }
0x46: {  	v1 =	vshll.u32 v0, $0x1  }
0x47: {  	vm0 =	vlt.s32 v0, $0xE000;
	v0 =	vadd.s32 $0xFFFE4001, v1  }
0x48: {  	v0 =	vsel vm0, v1, v0  }
0x49: {  	v0 =	vshll.u32 v0, $0x3  }
0x4a: {  	(v2sf) =	vpush v0, $0x0  }
0x4b: {  	(v2sf) =	vpush v0, $0x1  }
0x4c: {  	(v2sf) =	vpush v0, $0x2;
	_ =	sdelay $0x1  }
0x4d: {  	(v2sf) =	vpush v0, $0x4  }
.Ltmp0:
0x4e: {  	(pc) =	sbr.rel @p0 .LBB2_2-.Ltmp0, $3  }
0x4f: {  	(v2sf) =	vpush v0, $0x3  }
0x50: {  	(v2sf) =	vpush v0, $0x5;
	_ =	sdelay $0x1  }
0x51: {  	s14 =	sshra.s32 s17, $0x2;
	(v2sf) =	vpush v0, $0x6  }
0x52: {  	_ =	sdelay $0x5  }
0x53: {  	s0 =	spop (v2sf)  }
0x54: {  	s1 =	spop (v2sf)  }
0x55: {  	s17 =	spop (v2sf)  }
0x56: {  	s20 =	spop (v2sf);
	(v2sf) =	vpush v0, $0x7  }
0x57: {  	s0 =	sand.u32 $0x1FFFFFF8, s0  }
0x58: {  	s9 =	sadd.s32 $0x200, s14;
	s0 =	sadd.s32 s3, s0  }
0x59: {  	[tilespmem:s9], [sflag:$0x2] =	stream.linear.gather [hbm4b:s0+s2], $0x40, $0x38;
	[tilespmem:$0x8200] =	vst v63  }
0x5a: {  	s1 =	sand.u32 $0x1FFFFFF8, s1;
	s21 =	spop (v2sf);
	(v2sf) =	vpush v0, $0x8  }
0x5b: {  	s16 =	sadd.s32 $0x240, s14;
	s1 =	sadd.s32 s3, s1  }
0x5c: {  	[tilespmem:s16], [sflag:$0x2] =	stream.linear.gather [hbm4b:s1+s2], $0x40, $0x38;
	[tilespmem:$0x8200] =	vst v63  }
0x5d: {  	s18 =	sand.u32 $0x1FFFFFF8, s17;
	s25 =	spop (v2sf);
	(v2sf) =	vpush v0, $0x9  }
0x5e: {  	s19 =	sadd.s32 $0x280, s14;
	s0 =	sadd.s32 s3, s18  }
0x5f: {  	[tilespmem:s19], [sflag:$0x2] =	stream.linear.gather [hbm4b:s0+s2], $0x40, $0x38;
	[tilespmem:$0x8200] =	vst v63  }
0x60: {  	s0 =	sand.u32 $0x1FFFFFF8, s21;
	s28 =	spop (v2sf);
	(v2sf) =	vpush v0, $0xA  }
0x61: {  	s22 =	sadd.s32 $0x2C0, s14;
	s23 =	sand.u32 $0x1FFFFFF8, s20;
	s0 =	sadd.s32 s3, s0  }
0x62: {  	[tilespmem:s22], [sflag:$0x2] =	stream.linear.gather [hbm4b:s0+s2], $0x40, $0x38;
	[tilespmem:$0x8200] =	vst v63  }
0x63: {  	s24 =	sadd.s32 $0x300, s14;
	s0 =	sadd.s32 s3, s23  }
0x64: {  	[tilespmem:s24], [sflag:$0x2] =	stream.linear.gather [hbm4b:s0+s2], $0x40, $0x38;
	[tilespmem:$0x8200] =	vst v63  }
0x65: {  	s0 =	sand.u32 $0x1FFFFFF8, s25;
	s30 =	spop (v2sf);
	(v2sf) =	vpush v0, $0xB  }
0x66: {  	s26 =	sadd.s32 $0x340, s14;
	s0 =	sadd.s32 s3, s0  }
0x67: {  	[tilespmem:s26], [sflag:$0x2] =	stream.linear.gather [hbm4b:s0+s2], $0x40, $0x38;
	[tilespmem:$0x8200] =	vst v63  }
0x68: {  	s0 =	sand.u32 $0x1FFFFFF8, s28  }
0x69: {  	s29 =	sadd.s32 $0x380, s14;
	s0 =	sadd.s32 s3, s0;
	s9 =	spop (v2sf);
	(v2sf) =	vpush v0, $0xC  }
0x6a: {  	[tilespmem:s29], [sflag:$0x2] =	stream.linear.gather [hbm4b:s0+s2], $0x40, $0x38;
	[tilespmem:$0x8200] =	vst v63  }
0x6b: {  	s0 =	sand.u32 $0x1FFFFFF8, s30  }
0x6c: {  	s31 =	sadd.s32 $0x3C0, s14;
	s0 =	sadd.s32 s3, s0;
	s16 =	spop (v2sf);
	(v2sf) =	vpush v0, $0xD  }
0x6d: {  	[tilespmem:s31], [sflag:$0x2] =	stream.linear.gather [hbm4b:s0+s2], $0x40, $0x38;
	[tilespmem:$0x8200] =	vst v63  }
0x6e: {  	s0 =	sand.u32 $0x1FFFFFF8, s9  }
0x6f: {  	s15 =	sadd.s32 $0x400, s14;
	s0 =	sadd.s32 s3, s0;
	s18 =	spop (v2sf);
	(v2sf) =	vpush v0, $0xE  }
0x70: {  	[tilespmem:s15], [sflag:$0x2] =	stream.linear.gather [hbm4b:s0+s2], $0x40, $0x38;
	[tilespmem:$0x8200] =	vst v63  }
0x71: {  	s0 =	sand.u32 $0x1FFFFFF8, s16  }
0x72: {  	s17 =	sadd.s32 $0x440, s14;
	s0 =	sadd.s32 s3, s0  }
0x73: {  	[tilespmem:s17], [sflag:$0x2] =	stream.linear.gather [hbm4b:s0+s2], $0x40, $0x38;
	[tilespmem:$0x8200] =	vst v63  }
0x74: {  	s0 =	sand.u32 $0x1FFFFFF8, s18;
	s20 =	spop (v2sf);
	(v2sf) =	vpush v0, $0xF  }
0x75: {  	s19 =	sadd.s32 $0x480, s14;
	s0 =	sadd.s32 s3, s0  }
0x76: {  	[tilespmem:s19], [sflag:$0x2] =	stream.linear.gather [hbm4b:s0+s2], $0x40, $0x38;
	[tilespmem:$0x8200] =	vst v63  }
0x77: {  	s0 =	sand.u32 $0x1FFFFFF8, s20  }
0x78: {  	s21 =	sadd.s32 $0x4C0, s14;
	s0 =	sadd.s32 s3, s0;
	s22 =	spop (v2sf)  }
0x79: {  	[tilespmem:s21], [sflag:$0x2] =	stream.linear.gather [hbm4b:s0+s2], $0x40, $0x38;
	[tilespmem:$0x8200] =	vst v63  }
0x7a: {  	s0 =	sand.u32 $0x1FFFFFF8, s22  }
0x7b: {  	s23 =	sadd.s32 $0x500, s14;
	s24 =	spop (v2sf);
	s0 =	sadd.s32 s3, s0  }
0x7c: {  	[tilespmem:s23], [sflag:$0x2] =	stream.linear.gather [hbm4b:s0+s2], $0x40, $0x38;
	[tilespmem:$0x8200] =	vst v63  }
0x7d: {  	s0 =	sand.u32 $0x1FFFFFF8, s24  }
0x7e: {  	s25 =	sadd.s32 $0x540, s14;
	s26 =	spop (v2sf);
	s0 =	sadd.s32 s3, s0  }
0x7f: {  	[tilespmem:s25], [sflag:$0x2] =	stream.linear.gather [hbm4b:s0+s2], $0x40, $0x38;
	[tilespmem:$0x8200] =	vst v63  }
0x80: {  	s0 =	sand.u32 $0x1FFFFFF8, s26  }
0x81: {  	s28 =	sadd.s32 $0x580, s14;
	s0 =	sadd.s32 s3, s0  }
0x82: {  	[tilespmem:s28], [sflag:$0x2] =	stream.linear.gather [hbm4b:s0+s2], $0x40, $0x38;
	[tilespmem:$0x8200] =	vst v63  }
0x83: {  	s29 =	spop (v2sf)  }
0x84: {  	s0 =	sand.u32 $0x1FFFFFF8, s29  }
0x85: {  	s30 =	sadd.s32 $0x5C0, s14;
	s0 =	sadd.s32 s3, s0  }
0x86: {  	[tilespmem:s30], [sflag:$0x2] =	stream.linear.gather [hbm4b:s0+s2], $0x40, $0x38;
	[tilespmem:$0x8200] =	vst v63  }
0x87: {  	s13 =	sadd.s32 $0x1, s13;
	_ =	swait.ge [sflag:s8], $0x8000  }
0x88: {  	p0 =	sne.s32 s13, s6;
	[sflag:s8] =	ssyncset.done $0x0  }
.Ltmp1:
0x89: {  	s31 =	simm.s32 $0x40;
	[sflag:s8] =	ssyncadd.s32 $0xFFFF8000;
	(pc) =	sbr.rel @p0 .LBB2_1-.Ltmp1, $4  }
0x8a: {  	[hbm4b:s5+s31] =	stream.strided.scatter [tilespmem:s11], [sflag:$0x3], $0x8000, s10, s31, $0x38;
	[tilespmem:$0x8200] =	vst v63  }
0x8b: {  	_ =	swait.ge [sflag:s12], $0x8000  }
0x8c: {  	[sflag:s12] =	ssyncset.done $0x0  }
0x8d: {  	[sflag:s12] =	ssyncadd.s32 $0xFFFF8000  }
0x8e: {  	_ =	sfence.sel $0x180000  }
0x8f: {  	[bflag:$0x0] =	sbarrier.arrive $0xFFFF  }
0x90: {  	_ =	strace $0x90000047  }
0x91: {  	s0 =	stileid.u32;
	[bflag:$0x2] =	sbarrier.arrive $0xFFFF  }
0x92: {  	p0 =	sne.s32 s0, $0x0;
	s0 =	rddreg [dreg:$0x3]  }
0x93: {  	s0 =	sadd.s32 @!p0 $0x100000, s0  }
0x94: {  	[sflag:s0] =	ssyncadd.tile.s32 @!p0 $0x1;
	_ =	shalt  }
.Lfunc_end2:
_tile_overlayer_lowered:
.L_overlay_start_2:
0x95: {  	(tag) =	ssettag $0x2  }
0x96: {  	s0 =	rddreg [dreg:$0x0];
	s2 =	stileid.u32  }
0x97: {  	s1 =	rddreg [dreg:$0x1];
	p0 =	sne.s32 s2, $0x0  }
0x98: {  	s3 =	rddreg [dreg:$0x2];
	[bflag:$0x3] =	sbarrier.arrive $0xFFFF;
	s2 =	simm.s32 @!p0 $0x1C03  }
0x99: {  	[timem:s3], [sflag:s2] =	dma.local @!p0 [hbm:s0], s1  }
0x9a: {  	s0 =	simm.s32 @!p0 $0x3  }
0x9b: {  	_ =	swait.ge @!p0 [sflag:s0], s1  }
0x9c: {  	s1 =	ssub.s32 @!p0 $0x0, s1;
	[sflag:s0] =	ssyncset.done @!p0 $0x0  }
0x9d: {  	[sflag:s0] =	ssyncadd.s32 @!p0 s1  }
0x9e: {  	[bflag:$0x3] =	sbarrier.arrive $0xFFFF  }
0x9f: {  	_ =	shalt  }

</sc_bundles>
